<compile_context>
chip_gen: v7x
topology: tpu7x:2x2x1
jax: 0.10.2.dev20260603
libtpu: 0.0.44.dev20260713+nightly
codegen_flags: <defaults>
</compile_context>

<pallas_src>
import functools

import jax
import jax.numpy as jnp
from jax import lax
from jax.experimental import pallas as pl
from jax.experimental.pallas import tpu as pltpu
from jax.experimental.pallas import tpu_sc as plsc

VOCAB = 100001
DIM = 128
BATCH = 4096
HIST = 200
B = BATCH * HIST

NC = 2
NS = 16
NW = NC * NS
CHUNK = 128
PER_W = B // NW
N_CHUNKS = PER_W // CHUNK
NB = 4

_mesh = plsc.VectorSubcoreMesh(
    core_axis_name="c", subcore_axis_name="s", num_cores=NC, num_subcores=NS
)


@functools.partial(
    pl.kernel,
    out_type=jax.ShapeDtypeStruct((B, DIM), jnp.float32),
    mesh=_mesh,
    scratch_types=[
        pltpu.VMEM((N_CHUNKS, CHUNK), jnp.int32),
        pltpu.VMEM((NB, CHUNK, DIM), jnp.float32),
        pltpu.SemaphoreType.DMA((NB,)),
    ],
)
def _emb_lookup(x_hbm, w_hbm, out_hbm, idx_v, rows_v, sems):
    wid = lax.axis_index("s") * NC + lax.axis_index("c")
    pltpu.sync_copy(x_hbm.at[pl.ds(wid * N_CHUNKS, N_CHUNKS)], idx_v)
    out_base = wid * PER_W

    for b in range(NB):
        pltpu.async_copy(w_hbm.at[idx_v.at[b]], rows_v.at[b], sems.at[b])

    def group(g, carry):
        base = g * NB
        for b in range(NB):
            pltpu.make_async_copy(
                w_hbm.at[idx_v.at[b]], rows_v.at[b], sems.at[b]
            ).wait()
            pltpu.sync_copy(
                rows_v.at[b],
                out_hbm.at[pl.ds(out_base + (base + b) * CHUNK, CHUNK)],
            )
            nxt = base + NB + b

            @pl.when(nxt < N_CHUNKS)
            def _():
                pltpu.async_copy(w_hbm.at[idx_v.at[nxt]], rows_v.at[b], sems.at[b])

        return carry

    lax.fori_loop(0, N_CHUNKS // NB, group, 0)


def kernel(x, weight):
    x2 = x.reshape(B // CHUNK, CHUNK).astype(jnp.int32)
    out = _emb_lookup(x2, weight)
    return out.reshape(BATCH, HIST, DIM)

# --- scband reference (transcript-rebuilt; emitter-appended) ---
"""Pipeline reference for scband-embedding-layer-4801773437349 (READ-ONLY COPY).

The authoritative reference and input builder live on the scoring server;
editing this copy changes nothing except your own understanding.
"""

import jax, jax.numpy as jnp
import numpy as np

CORPUS_SIZE = 100000
EMBED_DIM = 128
BATCH = 4096
HIST = 200

def setup_inputs(seed: int = 0) -> dict:
    key = jax.random.key(seed)
    k1, k2 = jax.random.split(key)
    # indices in [0, corpus_size + 1); row 0 is the padding row
    x = jax.random.randint(k1, (BATCH, HIST), 0, CORPUS_SIZE + 1)
    # embedding weight ~ N(0, 0.1), padding row (index 0) zeroed
    weight = jax.random.normal(k2, (CORPUS_SIZE + 1, EMBED_DIM), dtype=jnp.float32) * 0.1
    weight = weight.at[0].set(0.0)
    return {"x": x, "weight": weight}

def reference(x, weight):
    # nn.Embedding with padding_idx=0: row 0 is always zero
    w = weight.at[0].set(0.0)
    return jnp.take(w, x, axis=0)

if __name__ == "__main__":
    import jax
    _d = setup_inputs()
    print(jax.jit(kernel)(*tuple(_d.values())))

</pallas_src>

<mosaic_0001>
#map = affine_map<(d0, d1) -> (0, 0)>
module attributes {stable_mosaic.version = 14 : i64} {
  func.func @_emb_lookup(%arg0: i32, %arg1: i32, %arg2: memref<6400x128xi32, #tpu.memory_space<hbm>>, %arg3: memref<100001x128xf32, #tpu.memory_space<hbm>>, %arg4: memref<819200x128xf32, #tpu.memory_space<hbm>>, %arg5: memref<200x128xi32, #tpu.memory_space<vmem>>, %arg6: memref<4x128x128xf32, #tpu.memory_space<vmem>>, %arg7: memref<4x!tpu.dma_semaphore, #tpu.memory_space<semaphore_mem>>) attributes {dimension_semantics = [#tpu.dimension_semantics<core_parallel>, #tpu.dimension_semantics<subcore_parallel>], iteration_bounds = array<i64: 2, 16>, scalar_prefetch = 0 : i64, scratch_operands = 3 : i64, tpu.core_type = #tpu.core_type<sc_vector_subcore>, window_params = [{transform_indices = #map}, {transform_indices = #map}, {transform_indices = #map}]} {
    %mul3A = arith.constant 2 : i32
    %mul3A_0 = arith.muli %arg1, %mul3A : i32
    %add3A = arith.addi %mul3A_0, %arg0 : i32
    %mul3A_1 = arith.constant 200 : i32
    %mul3A_2 = arith.muli %add3A, %mul3A_1 : i32
    "tpu.region"() ({
      %run_scoped3A = tpu.sem_alloc : memref<!tpu.dma_semaphore, #tpu.memory_space<semaphore_mem>>
      %dma_start3A_69 = arith.constant 0 : i32
      %dma_start3A_70 = tpu.memref_slice %arg2[%mul3A_2, %dma_start3A_69] : memref<6400x128xi32, #tpu.memory_space<hbm>> -> memref<200x128xi32, #tpu.memory_space<hbm>>
      %dma_start3A_71 = arith.constant 0 : i32
      %dma_start3A_72 = tpu.memref_slice %arg2[%mul3A_2, %dma_start3A_71] : memref<6400x128xi32, #tpu.memory_space<hbm>> -> memref<200x128xi32, #tpu.memory_space<hbm>>
      tpu.enqueue_dma source(%dma_start3A_72 : memref<200x128xi32, #tpu.memory_space<hbm>>) target(%arg5 : memref<200x128xi32, #tpu.memory_space<vmem>>) target_semaphore(%run_scoped3A : memref<!tpu.dma_semaphore, #tpu.memory_space<semaphore_mem>>)
      %dma_wait3A = arith.constant 0 : i32
      %dma_wait3A_73 = tpu.memref_slice %arg2[%mul3A_2, %dma_wait3A] : memref<6400x128xi32, #tpu.memory_space<hbm>> -> memref<200x128xi32, #tpu.memory_space<hbm>>
      %dma_wait3A_74 = arith.constant 0 : i32
      %dma_wait3A_75 = tpu.memref_slice %arg2[%mul3A_2, %dma_wait3A_74] : memref<6400x128xi32, #tpu.memory_space<hbm>> -> memref<200x128xi32, #tpu.memory_space<hbm>>
      tpu.wait_dma2 semaphore(%run_scoped3A : memref<!tpu.dma_semaphore, #tpu.memory_space<semaphore_mem>>) src(%dma_wait3A_75 : memref<200x128xi32, #tpu.memory_space<hbm>>) dst(%arg5 : memref<200x128xi32, #tpu.memory_space<vmem>>)
      tpu.yield
    }) : () -> ()
    %mul3A_3 = arith.constant 25600 : i32
    %mul3A_4 = arith.muli %add3A, %mul3A_3 : i32
    %dma_start3A = arith.constant 0 : i32
    %dma_start3A_5 = arith.constant 0 : i32
    %dma_start3A_6 = arith.constant 0 : i32
    %dma_start3A_7 = arith.constant 0 : i32
    %dma_start3A_8 = arith.constant 0 : i32
    %dma_start3A_9 = tpu.memref_slice %arg6[%dma_start3A_5, %dma_start3A_7, %dma_start3A_8] : memref<4x128x128xf32, #tpu.memory_space<vmem>> -> memref<1x128x128xf32, #tpu.memory_space<vmem>>
    %dma_start3A_10 = tpu.memref_squeeze %dma_start3A_9 : memref<1x128x128xf32, #tpu.memory_space<vmem>> -> memref<128x128xf32, #tpu.memory_space<vmem>>
    %dma_start3A_11 = arith.constant 0 : i32
    %dma_start3A_12 = tpu.memref_slice %arg5[%dma_start3A, %dma_start3A_11] : memref<200x128xi32, #tpu.memory_space<vmem>> -> memref<1x128xi32, #tpu.memory_space<vmem>>
    %dma_start3A_13 = tpu.memref_squeeze %dma_start3A_12 : memref<1x128xi32, #tpu.memory_space<vmem>> -> memref<128xi32, #tpu.memory_space<vmem>>
    %dma_start3A_14 = arith.constant 0 : i32
    %dma_start3A_15 = arith.constant 0 : i32
    %dma_start3A_16 = tpu.memref_slice %arg3[%dma_start3A_14, %dma_start3A_15] : memref<100001x128xf32, #tpu.memory_space<hbm>> -> memref<100001x128xf32, #tpu.memory_space<hbm>>
    %dma_start3A_17 = tpu.memref_slice %arg7[%dma_start3A_6] : memref<4x!tpu.dma_semaphore, #tpu.memory_space<semaphore_mem>> -> memref<1x!tpu.dma_semaphore, #tpu.memory_space<semaphore_mem>>
    %dma_start3A_18 = tpu.memref_squeeze %dma_start3A_17 : memref<1x!tpu.dma_semaphore, #tpu.memory_space<semaphore_mem>> -> memref<!tpu.dma_semaphore, #tpu.memory_space<semaphore_mem>>
    tpu.enqueue_indirect_dma source(%dma_start3A_16 : memref<100001x128xf32, #tpu.memory_space<hbm>>) target(%dma_start3A_10 : memref<128x128xf32, #tpu.memory_space<vmem>>) offsets(%dma_start3A_13 : memref<128xi32, #tpu.memory_space<vmem>>) semaphore(%dma_start3A_18 : memref<!tpu.dma_semaphore, #tpu.memory_space<semaphore_mem>>)
    %dma_start3A_19 = arith.constant 1 : i32
    %dma_start3A_20 = arith.constant 1 : i32
    %dma_start3A_21 = arith.constant 1 : i32
    %dma_start3A_22 = arith.constant 0 : i32
    %dma_start3A_23 = arith.constant 0 : i32
    %dma_start3A_24 = tpu.memref_slice %arg6[%dma_start3A_20, %dma_start3A_22, %dma_start3A_23] : memref<4x128x128xf32, #tpu.memory_space<vmem>> -> memref<1x128x128xf32, #tpu.memory_space<vmem>>
    %dma_start3A_25 = tpu.memref_squeeze %dma_start3A_24 : memref<1x128x128xf32, #tpu.memory_space<vmem>> -> memref<128x128xf32, #tpu.memory_space<vmem>>
    %dma_start3A_26 = arith.constant 0 : i32
    %dma_start3A_27 = tpu.memref_slice %arg5[%dma_start3A_19, %dma_start3A_26] : memref<200x128xi32, #tpu.memory_space<vmem>> -> memref<1x128xi32, #tpu.memory_space<vmem>>
    %dma_start3A_28 = tpu.memref_squeeze %dma_start3A_27 : memref<1x128xi32, #tpu.memory_space<vmem>> -> memref<128xi32, #tpu.memory_space<vmem>>
    %dma_start3A_29 = arith.constant 0 : i32
    %dma_start3A_30 = arith.constant 0 : i32
    %dma_start3A_31 = tpu.memref_slice %arg3[%dma_start3A_29, %dma_start3A_30] : memref<100001x128xf32, #tpu.memory_space<hbm>> -> memref<100001x128xf32, #tpu.memory_space<hbm>>
    %dma_start3A_32 = tpu.memref_slice %arg7[%dma_start3A_21] : memref<4x!tpu.dma_semaphore, #tpu.memory_space<semaphore_mem>> -> memref<1x!tpu.dma_semaphore, #tpu.memory_space<semaphore_mem>>
    %dma_start3A_33 = tpu.memref_squeeze %dma_start3A_32 : memref<1x!tpu.dma_semaphore, #tpu.memory_space<semaphore_mem>> -> memref<!tpu.dma_semaphore, #tpu.memory_space<semaphore_mem>>
    tpu.enqueue_indirect_dma source(%dma_start3A_31 : memref<100001x128xf32, #tpu.memory_space<hbm>>) target(%dma_start3A_25 : memref<128x128xf32, #tpu.memory_space<vmem>>) offsets(%dma_start3A_28 : memref<128xi32, #tpu.memory_space<vmem>>) semaphore(%dma_start3A_33 : memref<!tpu.dma_semaphore, #tpu.memory_space<semaphore_mem>>)
    %dma_start3A_34 = arith.constant 2 : i32
    %dma_start3A_35 = arith.constant 2 : i32
    %dma_start3A_36 = arith.constant 2 : i32
    %dma_start3A_37 = arith.constant 0 : i32
    %dma_start3A_38 = arith.constant 0 : i32
    %dma_start3A_39 = tpu.memref_slice %arg6[%dma_start3A_35, %dma_start3A_37, %dma_start3A_38] : memref<4x128x128xf32, #tpu.memory_space<vmem>> -> memref<1x128x128xf32, #tpu.memory_space<vmem>>
    %dma_start3A_40 = tpu.memref_squeeze %dma_start3A_39 : memref<1x128x128xf32, #tpu.memory_space<vmem>> -> memref<128x128xf32, #tpu.memory_space<vmem>>
    %dma_start3A_41 = arith.constant 0 : i32
    %dma_start3A_42 = tpu.memref_slice %arg5[%dma_start3A_34, %dma_start3A_41] : memref<200x128xi32, #tpu.memory_space<vmem>> -> memref<1x128xi32, #tpu.memory_space<vmem>>
    %dma_start3A_43 = tpu.memref_squeeze %dma_start3A_42 : memref<1x128xi32, #tpu.memory_space<vmem>> -> memref<128xi32, #tpu.memory_space<vmem>>
    %dma_start3A_44 = arith.constant 0 : i32
    %dma_start3A_45 = arith.constant 0 : i32
    %dma_start3A_46 = tpu.memref_slice %arg3[%dma_start3A_44, %dma_start3A_45] : memref<100001x128xf32, #tpu.memory_space<hbm>> -> memref<100001x128xf32, #tpu.memory_space<hbm>>
    %dma_start3A_47 = tpu.memref_slice %arg7[%dma_start3A_36] : memref<4x!tpu.dma_semaphore, #tpu.memory_space<semaphore_mem>> -> memref<1x!tpu.dma_semaphore, #tpu.memory_space<semaphore_mem>>
    %dma_start3A_48 = tpu.memref_squeeze %dma_start3A_47 : memref<1x!tpu.dma_semaphore, #tpu.memory_space<semaphore_mem>> -> memref<!tpu.dma_semaphore, #tpu.memory_space<semaphore_mem>>
    tpu.enqueue_indirect_dma source(%dma_start3A_46 : memref<100001x128xf32, #tpu.memory_space<hbm>>) target(%dma_start3A_40 : memref<128x128xf32, #tpu.memory_space<vmem>>) offsets(%dma_start3A_43 : memref<128xi32, #tpu.memory_space<vmem>>) semaphore(%dma_start3A_48 : memref<!tpu.dma_semaphore, #tpu.memory_space<semaphore_mem>>)
    %dma_start3A_49 = arith.constant 3 : i32
    %dma_start3A_50 = arith.constant 3 : i32
    %dma_start3A_51 = arith.constant 3 : i32
    %dma_start3A_52 = arith.constant 0 : i32
    %dma_start3A_53 = arith.constant 0 : i32
    %dma_start3A_54 = tpu.memref_slice %arg6[%dma_start3A_50, %dma_start3A_52, %dma_start3A_53] : memref<4x128x128xf32, #tpu.memory_space<vmem>> -> memref<1x128x128xf32, #tpu.memory_space<vmem>>
    %dma_start3A_55 = tpu.memref_squeeze %dma_start3A_54 : memref<1x128x128xf32, #tpu.memory_space<vmem>> -> memref<128x128xf32, #tpu.memory_space<vmem>>
    %dma_start3A_56 = arith.constant 0 : i32
    %dma_start3A_57 = tpu.memref_slice %arg5[%dma_start3A_49, %dma_start3A_56] : memref<200x128xi32, #tpu.memory_space<vmem>> -> memref<1x128xi32, #tpu.memory_space<vmem>>
    %dma_start3A_58 = tpu.memref_squeeze %dma_start3A_57 : memref<1x128xi32, #tpu.memory_space<vmem>> -> memref<128xi32, #tpu.memory_space<vmem>>
    %dma_start3A_59 = arith.constant 0 : i32
    %dma_start3A_60 = arith.constant 0 : i32
    %dma_start3A_61 = tpu.memref_slice %arg3[%dma_start3A_59, %dma_start3A_60] : memref<100001x128xf32, #tpu.memory_space<hbm>> -> memref<100001x128xf32, #tpu.memory_space<hbm>>
    %dma_start3A_62 = tpu.memref_slice %arg7[%dma_start3A_51] : memref<4x!tpu.dma_semaphore, #tpu.memory_space<semaphore_mem>> -> memref<1x!tpu.dma_semaphore, #tpu.memory_space<semaphore_mem>>
    %dma_start3A_63 = tpu.memref_squeeze %dma_start3A_62 : memref<1x!tpu.dma_semaphore, #tpu.memory_space<semaphore_mem>> -> memref<!tpu.dma_semaphore, #tpu.memory_space<semaphore_mem>>
    tpu.enqueue_indirect_dma source(%dma_start3A_61 : memref<100001x128xf32, #tpu.memory_space<hbm>>) target(%dma_start3A_55 : memref<128x128xf32, #tpu.memory_space<vmem>>) offsets(%dma_start3A_58 : memref<128xi32, #tpu.memory_space<vmem>>) semaphore(%dma_start3A_63 : memref<!tpu.dma_semaphore, #tpu.memory_space<semaphore_mem>>)
    %scan3A = arith.constant 0 : i32
    %scan3A_64 = arith.constant 0 : i32
    %scan3A_65 = arith.constant 50 : i32
    %scan3A_66 = arith.addi %scan3A_64, %scan3A_65 : i32
    %scan3A_67 = arith.constant 1 : i32
    scf.for %scan3A_69 = %scan3A_64 to %scan3A_66 step %scan3A_67  : i32 {
      %mul3A_70 = arith.constant 4 : i32
      %mul3A_71 = arith.muli %scan3A_69, %mul3A_70 : i32
      %dma_wait3A = arith.constant 0 : i32
      %dma_wait3A_72 = arith.constant 0 : i32
      %dma_wait3A_73 = arith.constant 0 : i32
      %dma_wait3A_74 = arith.constant 0 : i32
      %dma_wait3A_75 = arith.constant 0 : i32
      %dma_wait3A_76 = tpu.memref_slice %arg6[%dma_wait3A_72, %dma_wait3A_74, %dma_wait3A_75] : memref<4x128x128xf32, #tpu.memory_space<vmem>> -> memref<1x128x128xf32, #tpu.memory_space<vmem>>
      %dma_wait3A_77 = tpu.memref_squeeze %dma_wait3A_76 : memref<1x128x128xf32, #tpu.memory_space<vmem>> -> memref<128x128xf32, #tpu.memory_space<vmem>>
      %dma_wait3A_78 = arith.constant 0 : i32
      %dma_wait3A_79 = tpu.memref_slice %arg5[%dma_wait3A, %dma_wait3A_78] : memref<200x128xi32, #tpu.memory_space<vmem>> -> memref<1x128xi32, #tpu.memory_space<vmem>>
      %dma_wait3A_80 = tpu.memref_squeeze %dma_wait3A_79 : memref<1x128xi32, #tpu.memory_space<vmem>> -> memref<128xi32, #tpu.memory_space<vmem>>
      %dma_wait3A_81 = arith.constant 0 : i32
      %dma_wait3A_82 = arith.constant 0 : i32
      %dma_wait3A_83 = tpu.memref_slice %arg3[%dma_wait3A_81, %dma_wait3A_82] : memref<100001x128xf32, #tpu.memory_space<hbm>> -> memref<100001x128xf32, #tpu.memory_space<hbm>>
      %dma_wait3A_84 = tpu.memref_slice %arg7[%dma_wait3A_73] : memref<4x!tpu.dma_semaphore, #tpu.memory_space<semaphore_mem>> -> memref<1x!tpu.dma_semaphore, #tpu.memory_space<semaphore_mem>>
      %dma_wait3A_85 = tpu.memref_squeeze %dma_wait3A_84 : memref<1x!tpu.dma_semaphore, #tpu.memory_space<semaphore_mem>> -> memref<!tpu.dma_semaphore, #tpu.memory_space<semaphore_mem>>
      tpu.wait_indirect_dma semaphore(%dma_wait3A_85 : memref<!tpu.dma_semaphore, #tpu.memory_space<semaphore_mem>>) src(%dma_wait3A_83 : memref<100001x128xf32, #tpu.memory_space<hbm>>) dst(%dma_wait3A_77 : memref<128x128xf32, #tpu.memory_space<vmem>>)
      %add3A_86 = arith.constant 0 : i32
      %add3A_87 = arith.addi %mul3A_71, %add3A_86 : i32
      %mul3A_88 = arith.constant 128 : i32
      %mul3A_89 = arith.muli %add3A_87, %mul3A_88 : i32
      %add3A_90 = arith.addi %mul3A_4, %mul3A_89 : i32
      %run_scoped3A = arith.constant 0 : i32
      "tpu.region"() ({
        %run_scoped3A_187 = tpu.sem_alloc : memref<!tpu.dma_semaphore, #tpu.memory_space<semaphore_mem>>
        %dma_start3A_188 = arith.constant 0 : i32
        %dma_start3A_189 = arith.constant 0 : i32
        %dma_start3A_190 = tpu.memref_slice %arg6[%run_scoped3A, %dma_start3A_188, %dma_start3A_189] : memref<4x128x128xf32, #tpu.memory_space<vmem>> -> memref<1x128x128xf32, #tpu.memory_space<vmem>>
        %dma_start3A_191 = tpu.memref_squeeze %dma_start3A_190 : memref<1x128x128xf32, #tpu.memory_space<vmem>> -> memref<128x128xf32, #tpu.memory_space<vmem>>
        %dma_start3A_192 = arith.constant 0 : i32
        %dma_start3A_193 = tpu.memref_slice %arg4[%add3A_90, %dma_start3A_192] : memref<819200x128xf32, #tpu.memory_space<hbm>> -> memref<128x128xf32, #tpu.memory_space<hbm>>
        %dma_start3A_194 = arith.constant 0 : i32
        %dma_start3A_195 = tpu.memref_slice %arg4[%add3A_90, %dma_start3A_194] : memref<819200x128xf32, #tpu.memory_space<hbm>> -> memref<128x128xf32, #tpu.memory_space<hbm>>
        %dma_start3A_196 = arith.constant 0 : i32
        %dma_start3A_197 = arith.constant 0 : i32
        %dma_start3A_198 = tpu.memref_slice %arg6[%run_scoped3A, %dma_start3A_196, %dma_start3A_197] : memref<4x128x128xf32, #tpu.memory_space<vmem>> -> memref<1x128x128xf32, #tpu.memory_space<vmem>>
        %dma_start3A_199 = tpu.memref_squeeze %dma_start3A_198 : memref<1x128x128xf32, #tpu.memory_space<vmem>> -> memref<128x128xf32, #tpu.memory_space<vmem>>
        tpu.enqueue_dma source(%dma_start3A_199 : memref<128x128xf32, #tpu.memory_space<vmem>>) target(%dma_start3A_195 : memref<128x128xf32, #tpu.memory_space<hbm>>) target_semaphore(%run_scoped3A_187 : memref<!tpu.dma_semaphore, #tpu.memory_space<semaphore_mem>>)
        %dma_wait3A_200 = arith.constant 0 : i32
        %dma_wait3A_201 = arith.constant 0 : i32
        %dma_wait3A_202 = tpu.memref_slice %arg6[%run_scoped3A, %dma_wait3A_200, %dma_wait3A_201] : memref<4x128x128xf32, #tpu.memory_space<vmem>> -> memref<1x128x128xf32, #tpu.memory_space<vmem>>
        %dma_wait3A_203 = tpu.memref_squeeze %dma_wait3A_202 : memref<1x128x128xf32, #tpu.memory_space<vmem>> -> memref<128x128xf32, #tpu.memory_space<vmem>>
        %dma_wait3A_204 = arith.constant 0 : i32
        %dma_wait3A_205 = tpu.memref_slice %arg4[%add3A_90, %dma_wait3A_204] : memref<819200x128xf32, #tpu.memory_space<hbm>> -> memref<128x128xf32, #tpu.memory_space<hbm>>
        %dma_wait3A_206 = arith.constant 0 : i32
        %dma_wait3A_207 = tpu.memref_slice %arg4[%add3A_90, %dma_wait3A_206] : memref<819200x128xf32, #tpu.memory_space<hbm>> -> memref<128x128xf32, #tpu.memory_space<hbm>>
        %dma_wait3A_208 = arith.constant 0 : i32
        %dma_wait3A_209 = arith.constant 0 : i32
        %dma_wait3A_210 = tpu.memref_slice %arg6[%run_scoped3A, %dma_wait3A_208, %dma_wait3A_209] : memref<4x128x128xf32, #tpu.memory_space<vmem>> -> memref<1x128x128xf32, #tpu.memory_space<vmem>>
        %dma_wait3A_211 = tpu.memref_squeeze %dma_wait3A_210 : memref<1x128x128xf32, #tpu.memory_space<vmem>> -> memref<128x128xf32, #tpu.memory_space<vmem>>
        tpu.wait_dma2 semaphore(%run_scoped3A_187 : memref<!tpu.dma_semaphore, #tpu.memory_space<semaphore_mem>>) src(%dma_wait3A_211 : memref<128x128xf32, #tpu.memory_space<vmem>>) dst(%dma_wait3A_207 : memref<128x128xf32, #tpu.memory_space<hbm>>)
        tpu.yield
      }) : () -> ()
      %add3A_91 = arith.constant 4 : i32
      %add3A_92 = arith.addi %mul3A_71, %add3A_91 : i32
      %add3A_93 = arith.constant 0 : i32
      %add3A_94 = arith.addi %add3A_92, %add3A_93 : i32
      %lt3A = arith.constant 200 : i32
      %lt3A_95 = arith.cmpi slt, %add3A_94, %lt3A : i32
      %convert_element_type3A = arith.extui %lt3A_95 : i1 to i32
      %cond3A = arith.constant 0 : i32
      %cond3A_96 = arith.cmpi ne, %convert_element_type3A, %cond3A : i32
      scf.if %cond3A_96 {
        %dma_start3A_187 = arith.constant 0 : i32
        %dma_start3A_188 = arith.constant 0 : i32
        %dma_start3A_189 = arith.constant 0 : i32
        %dma_start3A_190 = arith.constant 0 : i32
        %dma_start3A_191 = tpu.memref_slice %arg6[%dma_start3A_187, %dma_start3A_189, %dma_start3A_190] : memref<4x128x128xf32, #tpu.memory_space<vmem>> -> memref<1x128x128xf32, #tpu.memory_space<vmem>>
        %dma_start3A_192 = tpu.memref_squeeze %dma_start3A_191 : memref<1x128x128xf32, #tpu.memory_space<vmem>> -> memref<128x128xf32, #tpu.memory_space<vmem>>
        %dma_start3A_193 = arith.constant 0 : i32
        %dma_start3A_194 = tpu.memref_slice %arg5[%add3A_94, %dma_start3A_193] : memref<200x128xi32, #tpu.memory_space<vmem>> -> memref<1x128xi32, #tpu.memory_space<vmem>>
        %dma_start3A_195 = tpu.memref_squeeze %dma_start3A_194 : memref<1x128xi32, #tpu.memory_space<vmem>> -> memref<128xi32, #tpu.memory_space<vmem>>
        %dma_start3A_196 = arith.constant 0 : i32
        %dma_start3A_197 = arith.constant 0 : i32
        %dma_start3A_198 = tpu.memref_slice %arg3[%dma_start3A_196, %dma_start3A_197] : memref<100001x128xf32, #tpu.memory_space<hbm>> -> memref<100001x128xf32, #tpu.memory_space<hbm>>
        %dma_start3A_199 = tpu.memref_slice %arg7[%dma_start3A_188] : memref<4x!tpu.dma_semaphore, #tpu.memory_space<semaphore_mem>> -> memref<1x!tpu.dma_semaphore, #tpu.memory_space<semaphore_mem>>
        %dma_start3A_200 = tpu.memref_squeeze %dma_start3A_199 : memref<1x!tpu.dma_semaphore, #tpu.memory_space<semaphore_mem>> -> memref<!tpu.dma_semaphore, #tpu.memory_space<semaphore_mem>>
        tpu.enqueue_indirect_dma source(%dma_start3A_198 : memref<100001x128xf32, #tpu.memory_space<hbm>>) target(%dma_start3A_192 : memref<128x128xf32, #tpu.memory_space<vmem>>) offsets(%dma_start3A_195 : memref<128xi32, #tpu.memory_space<vmem>>) semaphore(%dma_start3A_200 : memref<!tpu.dma_semaphore, #tpu.memory_space<semaphore_mem>>)
      } else {
      }
      %dma_wait3A_97 = arith.constant 1 : i32
      %dma_wait3A_98 = arith.constant 1 : i32
      %dma_wait3A_99 = arith.constant 1 : i32
      %dma_wait3A_100 = arith.constant 0 : i32
      %dma_wait3A_101 = arith.constant 0 : i32
      %dma_wait3A_102 = tpu.memref_slice %arg6[%dma_wait3A_98, %dma_wait3A_100, %dma_wait3A_101] : memref<4x128x128xf32, #tpu.memory_space<vmem>> -> memref<1x128x128xf32, #tpu.memory_space<vmem>>
      %dma_wait3A_103 = tpu.memref_squeeze %dma_wait3A_102 : memref<1x128x128xf32, #tpu.memory_space<vmem>> -> memref<128x128xf32, #tpu.memory_space<vmem>>
      %dma_wait3A_104 = arith.constant 0 : i32
      %dma_wait3A_105 = tpu.memref_slice %arg5[%dma_wait3A_97, %dma_wait3A_104] : memref<200x128xi32, #tpu.memory_space<vmem>> -> memref<1x128xi32, #tpu.memory_space<vmem>>
      %dma_wait3A_106 = tpu.memref_squeeze %dma_wait3A_105 : memref<1x128xi32, #tpu.memory_space<vmem>> -> memref<128xi32, #tpu.memory_space<vmem>>
      %dma_wait3A_107 = arith.constant 0 : i32
      %dma_wait3A_108 = arith.constant 0 : i32
      %dma_wait3A_109 = tpu.memref_slice %arg3[%dma_wait3A_107, %dma_wait3A_108] : memref<100001x128xf32, #tpu.memory_space<hbm>> -> memref<100001x128xf32, #tpu.memory_space<hbm>>
      %dma_wait3A_110 = tpu.memref_slice %arg7[%dma_wait3A_99] : memref<4x!tpu.dma_semaphore, #tpu.memory_space<semaphore_mem>> -> memref<1x!tpu.dma_semaphore, #tpu.memory_space<semaphore_mem>>
      %dma_wait3A_111 = tpu.memref_squeeze %dma_wait3A_110 : memref<1x!tpu.dma_semaphore, #tpu.memory_space<semaphore_mem>> -> memref<!tpu.dma_semaphore, #tpu.memory_space<semaphore_mem>>
      tpu.wait_indirect_dma semaphore(%dma_wait3A_111 : memref<!tpu.dma_semaphore, #tpu.memory_space<semaphore_mem>>) src(%dma_wait3A_109 : memref<100001x128xf32, #tpu.memory_space<hbm>>) dst(%dma_wait3A_103 : memref<128x128xf32, #tpu.memory_space<vmem>>)
      %add3A_112 = arith.constant 1 : i32
      %add3A_113 = arith.addi %mul3A_71, %add3A_112 : i32
      %mul3A_114 = arith.constant 128 : i32
      %mul3A_115 = arith.muli %add3A_113, %mul3A_114 : i32
      %add3A_116 = arith.addi %mul3A_4, %mul3A_115 : i32
      %run_scoped3A_117 = arith.constant 1 : i32
      "tpu.region"() ({
        %run_scoped3A_187 = tpu.sem_alloc : memref<!tpu.dma_semaphore, #tpu.memory_space<semaphore_mem>>
        %dma_start3A_188 = arith.constant 0 : i32
        %dma_start3A_189 = arith.constant 0 : i32
        %dma_start3A_190 = tpu.memref_slice %arg6[%run_scoped3A_117, %dma_start3A_188, %dma_start3A_189] : memref<4x128x128xf32, #tpu.memory_space<vmem>> -> memref<1x128x128xf32, #tpu.memory_space<vmem>>
        %dma_start3A_191 = tpu.memref_squeeze %dma_start3A_190 : memref<1x128x128xf32, #tpu.memory_space<vmem>> -> memref<128x128xf32, #tpu.memory_space<vmem>>
        %dma_start3A_192 = arith.constant 0 : i32
        %dma_start3A_193 = tpu.memref_slice %arg4[%add3A_116, %dma_start3A_192] : memref<819200x128xf32, #tpu.memory_space<hbm>> -> memref<128x128xf32, #tpu.memory_space<hbm>>
        %dma_start3A_194 = arith.constant 0 : i32
        %dma_start3A_195 = tpu.memref_slice %arg4[%add3A_116, %dma_start3A_194] : memref<819200x128xf32, #tpu.memory_space<hbm>> -> memref<128x128xf32, #tpu.memory_space<hbm>>
        %dma_start3A_196 = arith.constant 0 : i32
        %dma_start3A_197 = arith.constant 0 : i32
        %dma_start3A_198 = tpu.memref_slice %arg6[%run_scoped3A_117, %dma_start3A_196, %dma_start3A_197] : memref<4x128x128xf32, #tpu.memory_space<vmem>> -> memref<1x128x128xf32, #tpu.memory_space<vmem>>
        %dma_start3A_199 = tpu.memref_squeeze %dma_start3A_198 : memref<1x128x128xf32, #tpu.memory_space<vmem>> -> memref<128x128xf32, #tpu.memory_space<vmem>>
        tpu.enqueue_dma source(%dma_start3A_199 : memref<128x128xf32, #tpu.memory_space<vmem>>) target(%dma_start3A_195 : memref<128x128xf32, #tpu.memory_space<hbm>>) target_semaphore(%run_scoped3A_187 : memref<!tpu.dma_semaphore, #tpu.memory_space<semaphore_mem>>)
        %dma_wait3A_200 = arith.constant 0 : i32
        %dma_wait3A_201 = arith.constant 0 : i32
        %dma_wait3A_202 = tpu.memref_slice %arg6[%run_scoped3A_117, %dma_wait3A_200, %dma_wait3A_201] : memref<4x128x128xf32, #tpu.memory_space<vmem>> -> memref<1x128x128xf32, #tpu.memory_space<vmem>>
        %dma_wait3A_203 = tpu.memref_squeeze %dma_wait3A_202 : memref<1x128x128xf32, #tpu.memory_space<vmem>> -> memref<128x128xf32, #tpu.memory_space<vmem>>
        %dma_wait3A_204 = arith.constant 0 : i32
        %dma_wait3A_205 = tpu.memref_slice %arg4[%add3A_116, %dma_wait3A_204] : memref<819200x128xf32, #tpu.memory_space<hbm>> -> memref<128x128xf32, #tpu.memory_space<hbm>>
        %dma_wait3A_206 = arith.constant 0 : i32
        %dma_wait3A_207 = tpu.memref_slice %arg4[%add3A_116, %dma_wait3A_206] : memref<819200x128xf32, #tpu.memory_space<hbm>> -> memref<128x128xf32, #tpu.memory_space<hbm>>
        %dma_wait3A_208 = arith.constant 0 : i32
        %dma_wait3A_209 = arith.constant 0 : i32
        %dma_wait3A_210 = tpu.memref_slice %arg6[%run_scoped3A_117, %dma_wait3A_208, %dma_wait3A_209] : memref<4x128x128xf32, #tpu.memory_space<vmem>> -> memref<1x128x128xf32, #tpu.memory_space<vmem>>
        %dma_wait3A_211 = tpu.memref_squeeze %dma_wait3A_210 : memref<1x128x128xf32, #tpu.memory_space<vmem>> -> memref<128x128xf32, #tpu.memory_space<vmem>>
        tpu.wait_dma2 semaphore(%run_scoped3A_187 : memref<!tpu.dma_semaphore, #tpu.memory_space<semaphore_mem>>) src(%dma_wait3A_211 : memref<128x128xf32, #tpu.memory_space<vmem>>) dst(%dma_wait3A_207 : memref<128x128xf32, #tpu.memory_space<hbm>>)
        tpu.yield
      }) : () -> ()
      %add3A_118 = arith.constant 4 : i32
      %add3A_119 = arith.addi %mul3A_71, %add3A_118 : i32
      %add3A_120 = arith.constant 1 : i32
      %add3A_121 = arith.addi %add3A_119, %add3A_120 : i32
      %lt3A_122 = arith.constant 200 : i32
      %lt3A_123 = arith.cmpi slt, %add3A_121, %lt3A_122 : i32
      %convert_element_type3A_124 = arith.extui %lt3A_123 : i1 to i32
      %cond3A_125 = arith.constant 0 : i32
      %cond3A_126 = arith.cmpi ne, %convert_element_type3A_124, %cond3A_125 : i32
      scf.if %cond3A_126 {
        %dma_start3A_187 = arith.constant 1 : i32
        %dma_start3A_188 = arith.constant 1 : i32
        %dma_start3A_189 = arith.constant 0 : i32
        %dma_start3A_190 = arith.constant 0 : i32
        %dma_start3A_191 = tpu.memref_slice %arg6[%dma_start3A_187, %dma_start3A_189, %dma_start3A_190] : memref<4x128x128xf32, #tpu.memory_space<vmem>> -> memref<1x128x128xf32, #tpu.memory_space<vmem>>
        %dma_start3A_192 = tpu.memref_squeeze %dma_start3A_191 : memref<1x128x128xf32, #tpu.memory_space<vmem>> -> memref<128x128xf32, #tpu.memory_space<vmem>>
        %dma_start3A_193 = arith.constant 0 : i32
        %dma_start3A_194 = tpu.memref_slice %arg5[%add3A_121, %dma_start3A_193] : memref<200x128xi32, #tpu.memory_space<vmem>> -> memref<1x128xi32, #tpu.memory_space<vmem>>
        %dma_start3A_195 = tpu.memref_squeeze %dma_start3A_194 : memref<1x128xi32, #tpu.memory_space<vmem>> -> memref<128xi32, #tpu.memory_space<vmem>>
        %dma_start3A_196 = arith.constant 0 : i32
        %dma_start3A_197 = arith.constant 0 : i32
        %dma_start3A_198 = tpu.memref_slice %arg3[%dma_start3A_196, %dma_start3A_197] : memref<100001x128xf32, #tpu.memory_space<hbm>> -> memref<100001x128xf32, #tpu.memory_space<hbm>>
        %dma_start3A_199 = tpu.memref_slice %arg7[%dma_start3A_188] : memref<4x!tpu.dma_semaphore, #tpu.memory_space<semaphore_mem>> -> memref<1x!tpu.dma_semaphore, #tpu.memory_space<semaphore_mem>>
        %dma_start3A_200 = tpu.memref_squeeze %dma_start3A_199 : memref<1x!tpu.dma_semaphore, #tpu.memory_space<semaphore_mem>> -> memref<!tpu.dma_semaphore, #tpu.memory_space<semaphore_mem>>
        tpu.enqueue_indirect_dma source(%dma_start3A_198 : memref<100001x128xf32, #tpu.memory_space<hbm>>) target(%dma_start3A_192 : memref<128x128xf32, #tpu.memory_space<vmem>>) offsets(%dma_start3A_195 : memref<128xi32, #tpu.memory_space<vmem>>) semaphore(%dma_start3A_200 : memref<!tpu.dma_semaphore, #tpu.memory_space<semaphore_mem>>)
      } else {
      }
      %dma_wait3A_127 = arith.constant 2 : i32
      %dma_wait3A_128 = arith.constant 2 : i32
      %dma_wait3A_129 = arith.constant 2 : i32
      %dma_wait3A_130 = arith.constant 0 : i32
      %dma_wait3A_131 = arith.constant 0 : i32
      %dma_wait3A_132 = tpu.memref_slice %arg6[%dma_wait3A_128, %dma_wait3A_130, %dma_wait3A_131] : memref<4x128x128xf32, #tpu.memory_space<vmem>> -> memref<1x128x128xf32, #tpu.memory_space<vmem>>
      %dma_wait3A_133 = tpu.memref_squeeze %dma_wait3A_132 : memref<1x128x128xf32, #tpu.memory_space<vmem>> -> memref<128x128xf32, #tpu.memory_space<vmem>>
      %dma_wait3A_134 = arith.constant 0 : i32
      %dma_wait3A_135 = tpu.memref_slice %arg5[%dma_wait3A_127, %dma_wait3A_134] : memref<200x128xi32, #tpu.memory_space<vmem>> -> memref<1x128xi32, #tpu.memory_space<vmem>>
      %dma_wait3A_136 = tpu.memref_squeeze %dma_wait3A_135 : memref<1x128xi32, #tpu.memory_space<vmem>> -> memref<128xi32, #tpu.memory_space<vmem>>
      %dma_wait3A_137 = arith.constant 0 : i32
      %dma_wait3A_138 = arith.constant 0 : i32
      %dma_wait3A_139 = tpu.memref_slice %arg3[%dma_wait3A_137, %dma_wait3A_138] : memref<100001x128xf32, #tpu.memory_space<hbm>> -> memref<100001x128xf32, #tpu.memory_space<hbm>>
      %dma_wait3A_140 = tpu.memref_slice %arg7[%dma_wait3A_129] : memref<4x!tpu.dma_semaphore, #tpu.memory_space<semaphore_mem>> -> memref<1x!tpu.dma_semaphore, #tpu.memory_space<semaphore_mem>>
      %dma_wait3A_141 = tpu.memref_squeeze %dma_wait3A_140 : memref<1x!tpu.dma_semaphore, #tpu.memory_space<semaphore_mem>> -> memref<!tpu.dma_semaphore, #tpu.memory_space<semaphore_mem>>
      tpu.wait_indirect_dma semaphore(%dma_wait3A_141 : memref<!tpu.dma_semaphore, #tpu.memory_space<semaphore_mem>>) src(%dma_wait3A_139 : memref<100001x128xf32, #tpu.memory_space<hbm>>) dst(%dma_wait3A_133 : memref<128x128xf32, #tpu.memory_space<vmem>>)
      %add3A_142 = arith.constant 2 : i32
      %add3A_143 = arith.addi %mul3A_71, %add3A_142 : i32
      %mul3A_144 = arith.constant 128 : i32
      %mul3A_145 = arith.muli %add3A_143, %mul3A_144 : i32
      %add3A_146 = arith.addi %mul3A_4, %mul3A_145 : i32
      %run_scoped3A_147 = arith.constant 2 : i32
      "tpu.region"() ({
        %run_scoped3A_187 = tpu.sem_alloc : memref<!tpu.dma_semaphore, #tpu.memory_space<semaphore_mem>>
        %dma_start3A_188 = arith.constant 0 : i32
        %dma_start3A_189 = arith.constant 0 : i32
        %dma_start3A_190 = tpu.memref_slice %arg6[%run_scoped3A_147, %dma_start3A_188, %dma_start3A_189] : memref<4x128x128xf32, #tpu.memory_space<vmem>> -> memref<1x128x128xf32, #tpu.memory_space<vmem>>
        %dma_start3A_191 = tpu.memref_squeeze %dma_start3A_190 : memref<1x128x128xf32, #tpu.memory_space<vmem>> -> memref<128x128xf32, #tpu.memory_space<vmem>>
        %dma_start3A_192 = arith.constant 0 : i32
        %dma_start3A_193 = tpu.memref_slice %arg4[%add3A_146, %dma_start3A_192] : memref<819200x128xf32, #tpu.memory_space<hbm>> -> memref<128x128xf32, #tpu.memory_space<hbm>>
        %dma_start3A_194 = arith.constant 0 : i32
        %dma_start3A_195 = tpu.memref_slice %arg4[%add3A_146, %dma_start3A_194] : memref<819200x128xf32, #tpu.memory_space<hbm>> -> memref<128x128xf32, #tpu.memory_space<hbm>>
        %dma_start3A_196 = arith.constant 0 : i32
        %dma_start3A_197 = arith.constant 0 : i32
        %dma_start3A_198 = tpu.memref_slice %arg6[%run_scoped3A_147, %dma_start3A_196, %dma_start3A_197] : memref<4x128x128xf32, #tpu.memory_space<vmem>> -> memref<1x128x128xf32, #tpu.memory_space<vmem>>
        %dma_start3A_199 = tpu.memref_squeeze %dma_start3A_198 : memref<1x128x128xf32, #tpu.memory_space<vmem>> -> memref<128x128xf32, #tpu.memory_space<vmem>>
        tpu.enqueue_dma source(%dma_start3A_199 : memref<128x128xf32, #tpu.memory_space<vmem>>) target(%dma_start3A_195 : memref<128x128xf32, #tpu.memory_space<hbm>>) target_semaphore(%run_scoped3A_187 : memref<!tpu.dma_semaphore, #tpu.memory_space<semaphore_mem>>)
        %dma_wait3A_200 = arith.constant 0 : i32
        %dma_wait3A_201 = arith.constant 0 : i32
        %dma_wait3A_202 = tpu.memref_slice %arg6[%run_scoped3A_147, %dma_wait3A_200, %dma_wait3A_201] : memref<4x128x128xf32, #tpu.memory_space<vmem>> -> memref<1x128x128xf32, #tpu.memory_space<vmem>>
        %dma_wait3A_203 = tpu.memref_squeeze %dma_wait3A_202 : memref<1x128x128xf32, #tpu.memory_space<vmem>> -> memref<128x128xf32, #tpu.memory_space<vmem>>
        %dma_wait3A_204 = arith.constant 0 : i32
        %dma_wait3A_205 = tpu.memref_slice %arg4[%add3A_146, %dma_wait3A_204] : memref<819200x128xf32, #tpu.memory_space<hbm>> -> memref<128x128xf32, #tpu.memory_space<hbm>>
        %dma_wait3A_206 = arith.constant 0 : i32
        %dma_wait3A_207 = tpu.memref_slice %arg4[%add3A_146, %dma_wait3A_206] : memref<819200x128xf32, #tpu.memory_space<hbm>> -> memref<128x128xf32, #tpu.memory_space<hbm>>
        %dma_wait3A_208 = arith.constant 0 : i32
        %dma_wait3A_209 = arith.constant 0 : i32
        %dma_wait3A_210 = tpu.memref_slice %arg6[%run_scoped3A_147, %dma_wait3A_208, %dma_wait3A_209] : memref<4x128x128xf32, #tpu.memory_space<vmem>> -> memref<1x128x128xf32, #tpu.memory_space<vmem>>
        %dma_wait3A_211 = tpu.memref_squeeze %dma_wait3A_210 : memref<1x128x128xf32, #tpu.memory_space<vmem>> -> memref<128x128xf32, #tpu.memory_space<vmem>>
        tpu.wait_dma2 semaphore(%run_scoped3A_187 : memref<!tpu.dma_semaphore, #tpu.memory_space<semaphore_mem>>) src(%dma_wait3A_211 : memref<128x128xf32, #tpu.memory_space<vmem>>) dst(%dma_wait3A_207 : memref<128x128xf32, #tpu.memory_space<hbm>>)
        tpu.yield
      }) : () -> ()
      %add3A_148 = arith.constant 4 : i32
      %add3A_149 = arith.addi %mul3A_71, %add3A_148 : i32
      %add3A_150 = arith.constant 2 : i32
      %add3A_151 = arith.addi %add3A_149, %add3A_150 : i32
      %lt3A_152 = arith.constant 200 : i32
      %lt3A_153 = arith.cmpi slt, %add3A_151, %lt3A_152 : i32
      %convert_element_type3A_154 = arith.extui %lt3A_153 : i1 to i32
      %cond3A_155 = arith.constant 0 : i32
      %cond3A_156 = arith.cmpi ne, %convert_element_type3A_154, %cond3A_155 : i32
      scf.if %cond3A_156 {
        %dma_start3A_187 = arith.constant 2 : i32
        %dma_start3A_188 = arith.constant 2 : i32
        %dma_start3A_189 = arith.constant 0 : i32
        %dma_start3A_190 = arith.constant 0 : i32
        %dma_start3A_191 = tpu.memref_slice %arg6[%dma_start3A_187, %dma_start3A_189, %dma_start3A_190] : memref<4x128x128xf32, #tpu.memory_space<vmem>> -> memref<1x128x128xf32, #tpu.memory_space<vmem>>
        %dma_start3A_192 = tpu.memref_squeeze %dma_start3A_191 : memref<1x128x128xf32, #tpu.memory_space<vmem>> -> memref<128x128xf32, #tpu.memory_space<vmem>>
        %dma_start3A_193 = arith.constant 0 : i32
        %dma_start3A_194 = tpu.memref_slice %arg5[%add3A_151, %dma_start3A_193] : memref<200x128xi32, #tpu.memory_space<vmem>> -> memref<1x128xi32, #tpu.memory_space<vmem>>
        %dma_start3A_195 = tpu.memref_squeeze %dma_start3A_194 : memref<1x128xi32, #tpu.memory_space<vmem>> -> memref<128xi32, #tpu.memory_space<vmem>>
        %dma_start3A_196 = arith.constant 0 : i32
        %dma_start3A_197 = arith.constant 0 : i32
        %dma_start3A_198 = tpu.memref_slice %arg3[%dma_start3A_196, %dma_start3A_197] : memref<100001x128xf32, #tpu.memory_space<hbm>> -> memref<100001x128xf32, #tpu.memory_space<hbm>>
        %dma_start3A_199 = tpu.memref_slice %arg7[%dma_start3A_188] : memref<4x!tpu.dma_semaphore, #tpu.memory_space<semaphore_mem>> -> memref<1x!tpu.dma_semaphore, #tpu.memory_space<semaphore_mem>>
        %dma_start3A_200 = tpu.memref_squeeze %dma_start3A_199 : memref<1x!tpu.dma_semaphore, #tpu.memory_space<semaphore_mem>> -> memref<!tpu.dma_semaphore, #tpu.memory_space<semaphore_mem>>
        tpu.enqueue_indirect_dma source(%dma_start3A_198 : memref<100001x128xf32, #tpu.memory_space<hbm>>) target(%dma_start3A_192 : memref<128x128xf32, #tpu.memory_space<vmem>>) offsets(%dma_start3A_195 : memref<128xi32, #tpu.memory_space<vmem>>) semaphore(%dma_start3A_200 : memref<!tpu.dma_semaphore, #tpu.memory_space<semaphore_mem>>)
      } else {
      }
      %dma_wait3A_157 = arith.constant 3 : i32
      %dma_wait3A_158 = arith.constant 3 : i32
      %dma_wait3A_159 = arith.constant 3 : i32
      %dma_wait3A_160 = arith.constant 0 : i32
      %dma_wait3A_161 = arith.constant 0 : i32
      %dma_wait3A_162 = tpu.memref_slice %arg6[%dma_wait3A_158, %dma_wait3A_160, %dma_wait3A_161] : memref<4x128x128xf32, #tpu.memory_space<vmem>> -> memref<1x128x128xf32, #tpu.memory_space<vmem>>
      %dma_wait3A_163 = tpu.memref_squeeze %dma_wait3A_162 : memref<1x128x128xf32, #tpu.memory_space<vmem>> -> memref<128x128xf32, #tpu.memory_space<vmem>>
      %dma_wait3A_164 = arith.constant 0 : i32
      %dma_wait3A_165 = tpu.memref_slice %arg5[%dma_wait3A_157, %dma_wait3A_164] : memref<200x128xi32, #tpu.memory_space<vmem>> -> memref<1x128xi32, #tpu.memory_space<vmem>>
      %dma_wait3A_166 = tpu.memref_squeeze %dma_wait3A_165 : memref<1x128xi32, #tpu.memory_space<vmem>> -> memref<128xi32, #tpu.memory_space<vmem>>
      %dma_wait3A_167 = arith.constant 0 : i32
      %dma_wait3A_168 = arith.constant 0 : i32
      %dma_wait3A_169 = tpu.memref_slice %arg3[%dma_wait3A_167, %dma_wait3A_168] : memref<100001x128xf32, #tpu.memory_space<hbm>> -> memref<100001x128xf32, #tpu.memory_space<hbm>>
      %dma_wait3A_170 = tpu.memref_slice %arg7[%dma_wait3A_159] : memref<4x!tpu.dma_semaphore, #tpu.memory_space<semaphore_mem>> -> memref<1x!tpu.dma_semaphore, #tpu.memory_space<semaphore_mem>>
      %dma_wait3A_171 = tpu.memref_squeeze %dma_wait3A_170 : memref<1x!tpu.dma_semaphore, #tpu.memory_space<semaphore_mem>> -> memref<!tpu.dma_semaphore, #tpu.memory_space<semaphore_mem>>
      tpu.wait_indirect_dma semaphore(%dma_wait3A_171 : memref<!tpu.dma_semaphore, #tpu.memory_space<semaphore_mem>>) src(%dma_wait3A_169 : memref<100001x128xf32, #tpu.memory_space<hbm>>) dst(%dma_wait3A_163 : memref<128x128xf32, #tpu.memory_space<vmem>>)
      %add3A_172 = arith.constant 3 : i32
      %add3A_173 = arith.addi %mul3A_71, %add3A_172 : i32
      %mul3A_174 = arith.constant 128 : i32
      %mul3A_175 = arith.muli %add3A_173, %mul3A_174 : i32
      %add3A_176 = arith.addi %mul3A_4, %mul3A_175 : i32
      %run_scoped3A_177 = arith.constant 3 : i32
      "tpu.region"() ({
        %run_scoped3A_187 = tpu.sem_alloc : memref<!tpu.dma_semaphore, #tpu.memory_space<semaphore_mem>>
        %dma_start3A_188 = arith.constant 0 : i32
        %dma_start3A_189 = arith.constant 0 : i32
        %dma_start3A_190 = tpu.memref_slice %arg6[%run_scoped3A_177, %dma_start3A_188, %dma_start3A_189] : memref<4x128x128xf32, #tpu.memory_space<vmem>> -> memref<1x128x128xf32, #tpu.memory_space<vmem>>
        %dma_start3A_191 = tpu.memref_squeeze %dma_start3A_190 : memref<1x128x128xf32, #tpu.memory_space<vmem>> -> memref<128x128xf32, #tpu.memory_space<vmem>>
        %dma_start3A_192 = arith.constant 0 : i32
        %dma_start3A_193 = tpu.memref_slice %arg4[%add3A_176, %dma_start3A_192] : memref<819200x128xf32, #tpu.memory_space<hbm>> -> memref<128x128xf32, #tpu.memory_space<hbm>>
        %dma_start3A_194 = arith.constant 0 : i32
        %dma_start3A_195 = tpu.memref_slice %arg4[%add3A_176, %dma_start3A_194] : memref<819200x128xf32, #tpu.memory_space<hbm>> -> memref<128x128xf32, #tpu.memory_space<hbm>>
        %dma_start3A_196 = arith.constant 0 : i32
        %dma_start3A_197 = arith.constant 0 : i32
        %dma_start3A_198 = tpu.memref_slice %arg6[%run_scoped3A_177, %dma_start3A_196, %dma_start3A_197] : memref<4x128x128xf32, #tpu.memory_space<vmem>> -> memref<1x128x128xf32, #tpu.memory_space<vmem>>
        %dma_start3A_199 = tpu.memref_squeeze %dma_start3A_198 : memref<1x128x128xf32, #tpu.memory_space<vmem>> -> memref<128x128xf32, #tpu.memory_space<vmem>>
        tpu.enqueue_dma source(%dma_start3A_199 : memref<128x128xf32, #tpu.memory_space<vmem>>) target(%dma_start3A_195 : memref<128x128xf32, #tpu.memory_space<hbm>>) target_semaphore(%run_scoped3A_187 : memref<!tpu.dma_semaphore, #tpu.memory_space<semaphore_mem>>)
        %dma_wait3A_200 = arith.constant 0 : i32
        %dma_wait3A_201 = arith.constant 0 : i32
        %dma_wait3A_202 = tpu.memref_slice %arg6[%run_scoped3A_177, %dma_wait3A_200, %dma_wait3A_201] : memref<4x128x128xf32, #tpu.memory_space<vmem>> -> memref<1x128x128xf32, #tpu.memory_space<vmem>>
        %dma_wait3A_203 = tpu.memref_squeeze %dma_wait3A_202 : memref<1x128x128xf32, #tpu.memory_space<vmem>> -> memref<128x128xf32, #tpu.memory_space<vmem>>
        %dma_wait3A_204 = arith.constant 0 : i32
        %dma_wait3A_205 = tpu.memref_slice %arg4[%add3A_176, %dma_wait3A_204] : memref<819200x128xf32, #tpu.memory_space<hbm>> -> memref<128x128xf32, #tpu.memory_space<hbm>>
        %dma_wait3A_206 = arith.constant 0 : i32
        %dma_wait3A_207 = tpu.memref_slice %arg4[%add3A_176, %dma_wait3A_206] : memref<819200x128xf32, #tpu.memory_space<hbm>> -> memref<128x128xf32, #tpu.memory_space<hbm>>
        %dma_wait3A_208 = arith.constant 0 : i32
        %dma_wait3A_209 = arith.constant 0 : i32
        %dma_wait3A_210 = tpu.memref_slice %arg6[%run_scoped3A_177, %dma_wait3A_208, %dma_wait3A_209] : memref<4x128x128xf32, #tpu.memory_space<vmem>> -> memref<1x128x128xf32, #tpu.memory_space<vmem>>
        %dma_wait3A_211 = tpu.memref_squeeze %dma_wait3A_210 : memref<1x128x128xf32, #tpu.memory_space<vmem>> -> memref<128x128xf32, #tpu.memory_space<vmem>>
        tpu.wait_dma2 semaphore(%run_scoped3A_187 : memref<!tpu.dma_semaphore, #tpu.memory_space<semaphore_mem>>) src(%dma_wait3A_211 : memref<128x128xf32, #tpu.memory_space<vmem>>) dst(%dma_wait3A_207 : memref<128x128xf32, #tpu.memory_space<hbm>>)
        tpu.yield
      }) : () -> ()
      %add3A_178 = arith.constant 4 : i32
      %add3A_179 = arith.addi %mul3A_71, %add3A_178 : i32
      %add3A_180 = arith.constant 3 : i32
      %add3A_181 = arith.addi %add3A_179, %add3A_180 : i32
      %lt3A_182 = arith.constant 200 : i32
      %lt3A_183 = arith.cmpi slt, %add3A_181, %lt3A_182 : i32
      %convert_element_type3A_184 = arith.extui %lt3A_183 : i1 to i32
      %cond3A_185 = arith.constant 0 : i32
      %cond3A_186 = arith.cmpi ne, %convert_element_type3A_184, %cond3A_185 : i32
      scf.if %cond3A_186 {
        %dma_start3A_187 = arith.constant 3 : i32
        %dma_start3A_188 = arith.constant 3 : i32
        %dma_start3A_189 = arith.constant 0 : i32
        %dma_start3A_190 = arith.constant 0 : i32
        %dma_start3A_191 = tpu.memref_slice %arg6[%dma_start3A_187, %dma_start3A_189, %dma_start3A_190] : memref<4x128x128xf32, #tpu.memory_space<vmem>> -> memref<1x128x128xf32, #tpu.memory_space<vmem>>
        %dma_start3A_192 = tpu.memref_squeeze %dma_start3A_191 : memref<1x128x128xf32, #tpu.memory_space<vmem>> -> memref<128x128xf32, #tpu.memory_space<vmem>>
        %dma_start3A_193 = arith.constant 0 : i32
        %dma_start3A_194 = tpu.memref_slice %arg5[%add3A_181, %dma_start3A_193] : memref<200x128xi32, #tpu.memory_space<vmem>> -> memref<1x128xi32, #tpu.memory_space<vmem>>
        %dma_start3A_195 = tpu.memref_squeeze %dma_start3A_194 : memref<1x128xi32, #tpu.memory_space<vmem>> -> memref<128xi32, #tpu.memory_space<vmem>>
        %dma_start3A_196 = arith.constant 0 : i32
        %dma_start3A_197 = arith.constant 0 : i32
        %dma_start3A_198 = tpu.memref_slice %arg3[%dma_start3A_196, %dma_start3A_197] : memref<100001x128xf32, #tpu.memory_space<hbm>> -> memref<100001x128xf32, #tpu.memory_space<hbm>>
        %dma_start3A_199 = tpu.memref_slice %arg7[%dma_start3A_188] : memref<4x!tpu.dma_semaphore, #tpu.memory_space<semaphore_mem>> -> memref<1x!tpu.dma_semaphore, #tpu.memory_space<semaphore_mem>>
        %dma_start3A_200 = tpu.memref_squeeze %dma_start3A_199 : memref<1x!tpu.dma_semaphore, #tpu.memory_space<semaphore_mem>> -> memref<!tpu.dma_semaphore, #tpu.memory_space<semaphore_mem>>
        tpu.enqueue_indirect_dma source(%dma_start3A_198 : memref<100001x128xf32, #tpu.memory_space<hbm>>) target(%dma_start3A_192 : memref<128x128xf32, #tpu.memory_space<vmem>>) offsets(%dma_start3A_195 : memref<128xi32, #tpu.memory_space<vmem>>) semaphore(%dma_start3A_200 : memref<!tpu.dma_semaphore, #tpu.memory_space<semaphore_mem>>)
      } else {
      }
    }
    %scan3A_68 = arith.constant 50 : i32
    return
  }
}

</mosaic_0001>

<sc_bundles>
// kernel: kernel.3.cloned.1.call-start
scs
__scs_entry_jumppad:
0x0: {  	(pc) =	sbr.rel $0x88, $3  }
0x1: {  	(tag) =	ssettag $0x0;
	lr =	simm.s32 $0x1  }
0x2: {  	[smem:$0x3F9F] =	sst lr;
	_ =	strace $0xD0000000  }
0x3: {  	_ = 	snop  }
0x4: {  	_ = 	snop  }
0x5: {  	_ = 	snop  }
0x6: {  	_ = 	snop  }
0x7: {  	_ = 	snop  }
__scs_overlays_trampoline_lowered:
0x8: {  	[smem:$0x3FAE] =	sst s0  }
0x9: {  	[smem:$0x3FAF] =	sst s1  }
0xa: {  	[smem:$0x3FB0] =	sst s2  }
0xb: {  	[smem:$0x3FB1] =	sst s3  }
0xc: {  	[smem:$0x3FB2] =	sst s4  }
0xd: {  	[smem:$0x3FB3] =	sst s5  }
0xe: {  	[smem:$0x3FB4] =	sst s6  }
0xf: {  	[smem:$0x3FB5] =	sst s7  }
0x10: {  	[smem:$0x3FB6] =	sst s8  }
0x11: {  	[smem:$0x3FB7] =	sst s9;
	s0 =	simm.s32 @!p0 $0x0  }
0x12: {  	s1 =	sld [smem:$0x3F9D];
	s0 =	simm.s32 @p0 $0x1  }
0x13: {  	[smem:$0x3FB8] =	sst s0;
	s0 =	simm.s32 @!p1 $0x0  }
0x14: {  	s2 =	sld [smem:$0x3F9C];
	s0 =	simm.s32 @p1 $0x1  }
0x15: {  	[smem:$0x3FB9] =	sst s0;
	s0 =	simm.s32 @!p2 $0x0  }
0x16: {  	s3 =	sld [smem:$0x3FDB];
	s0 =	simm.s32 @p2 $0x1  }
0x17: {  	s4 =	simm.s32 $0x1BF5;
	[smem:$0x3FBB] =	sst s0  }
0x18: {  	s0 =	sld [smem:$0x3F9E];
	_ =	swait.ge [sflag:s4], $0x0  }
0x19: {  	s7 =	sld [smem:$0x3F9F]  }
0x1a: {  	s8 =	sadd.s32 $0xFFFFE003, lr  }
0x1b: {  	s9 =	sadd.s32 $0xFFFFFEF7, lr;
	s5 =	simm.s32 $0xFFFFFFFF;
	p2 =	slt.u32 s8, $0xFFFFF086  }
0x1c: {  	p1 =	slt.u32 s9, $0xF7A;
	s5 =	simm.s32 @!p2 $0x0  }
0x1d: {  	s5 =	simm.s32 @p1 $0x1;
	p0 =	seq.s32 s7, s2  }
0x1e: {  	s7 =	smul.u32 @!p0 $0xF7A, s2;
	p2 =	seq.s32 @!p0 s5, $0x0  }
0x1f: {  	s9 =	smul.u32 $0xF7A, s1;
	s8 =	simm.s32 @!p0 $0x1BF5;
	p2 =	por !p2, p0  }
0x20: {  	[sflag:s8] =	ssyncset.s32 @!p0 $0xFFFFF086;
	s6 =	sadd.s32 @!p0 s3, s7;
	s7 =	simm.s32 @!p0 $0x108  }
0x21: {  	s3 =	sadd.s32 s3, s9;
	s6 =	sadd.s32 @!p0 $0x88, s6;
	s7 =	simm.s32 @p2 $0x1082  }
0x22: {  	[simem:s7], [sflag:s8] =	dma.local @!p0 [hbm:s6], $0xF7A  }
0x23: {  	s9 =	sor.u32 $0xD0000000, s2;
	s6 =	simm.s32 $0x108;
	_ =	swait.ge @!p0 [sflag:s8], $0x0  }
0x24: {  	s3 =	sadd.s32 $0x88, s3;
	s6 =	simm.s32 @!p1 $0x1082;
	[sflag:s4] =	ssyncset.s32 $0xFFFFF086  }
0x25: {  	[simem:s6], [sflag:s4] =	dma.local [hbm:s3], $0xF7A  }
0x26: {  	[smem:$0x3F9F] =	sst s1;
	(tag) =	ssettag s2;
	_ =	strace s9  }
0x27: {  	s1 =	sld [smem:$0x3FAF]  }
0x28: {  	s2 =	sld [smem:$0x3FB0]  }
0x29: {  	s4 =	sld [smem:$0x3FB2]  }
0x2a: {  	p0 =	seq.s32 s5, $0x0;
	s5 =	sld [smem:$0x3FB3]  }
0x2b: {  	s6 =	sld [smem:$0x3FB4]  }
0x2c: {  	s7 =	sld [smem:$0x3FB5]  }
0x2d: {  	s3 =	simm.s32 $0x108;
	s8 =	sld [smem:$0x3FB6]  }
0x2e: {  	s3 =	simm.s32 @!p0 $0x1082;
	s9 =	sld [smem:$0x3FB7]  }
0x2f: {  	lr =	sadd.s32 s0, s3;
	s0 =	sld [smem:$0x3FAE]  }
0x30: {  	s3 =	sld [smem:$0x3FB1]  }
0x31: {  	[smem:$0x3FBA] =	sst s10  }
0x32: {  	s10 =	sld [smem:$0x3FB8];
	_ =	sdelay $0x3  }
0x33: {  	p0 =	seq.s32 s10, $0x1;
	s10 =	sld [smem:$0x3FBA];
	_ =	sdelay $0x3  }
0x34: {  	[smem:$0x3FBA] =	sst s10  }
0x35: {  	s10 =	sld [smem:$0x3FB9];
	_ =	sdelay $0x3  }
0x36: {  	p1 =	seq.s32 s10, $0x1;
	s10 =	sld [smem:$0x3FBA];
	_ =	sdelay $0x3  }
0x37: {  	[smem:$0x3FBA] =	sst s10  }
0x38: {  	s10 =	sld [smem:$0x3FBB]  }
0x39: {  	_ = 	snop;
	(pc) =	sbr.ind lr, $3  }
0x3a: {  	_ = 	snop  }
0x3b: {  	_ = 	snop  }
0x3c: {  	p2 =	seq.s32 s10, $0x1;
	s10 =	sld [smem:$0x3FBA]  }
0x3d: {  	_ =	shalt  }
0x3e: {  	_ =	shalt  }
0x3f: {  	_ =	shalt  }
0x40: {  	_ =	shalt  }
0x41: {  	_ =	shalt  }
0x42: {  	_ =	shalt  }
0x43: {  	_ =	shalt  }
0x44: {  	_ =	shalt  }
0x45: {  	_ =	shalt  }
0x46: {  	_ =	shalt  }
0x47: {  	_ =	shalt  }
0x48: {  	_ =	shalt  }
0x49: {  	_ =	shalt  }
0x4a: {  	_ =	shalt  }
0x4b: {  	_ =	shalt  }
0x4c: {  	_ =	shalt  }
0x4d: {  	_ =	shalt  }
0x4e: {  	_ =	shalt  }
0x4f: {  	_ =	shalt  }
0x50: {  	_ =	shalt  }
0x51: {  	_ =	shalt  }
0x52: {  	_ =	shalt  }
0x53: {  	_ =	shalt  }
0x54: {  	_ =	shalt  }
0x55: {  	_ =	shalt  }
0x56: {  	_ =	shalt  }
0x57: {  	_ =	shalt  }
0x58: {  	_ =	shalt  }
0x59: {  	_ =	shalt  }
0x5a: {  	_ =	shalt  }
0x5b: {  	_ =	shalt  }
0x5c: {  	_ =	shalt  }
0x5d: {  	_ =	shalt  }
0x5e: {  	_ =	shalt  }
0x5f: {  	_ =	shalt  }
0x60: {  	_ =	shalt  }
0x61: {  	_ =	shalt  }
0x62: {  	_ =	shalt  }
0x63: {  	_ =	shalt  }
0x64: {  	_ =	shalt  }
0x65: {  	_ =	shalt  }
0x66: {  	_ =	shalt  }
0x67: {  	_ =	shalt  }
0x68: {  	_ =	shalt  }
0x69: {  	_ =	shalt  }
0x6a: {  	_ =	shalt  }
0x6b: {  	_ =	shalt  }
0x6c: {  	_ =	shalt  }
0x6d: {  	_ =	shalt  }
0x6e: {  	_ =	shalt  }
0x6f: {  	_ =	shalt  }
0x70: {  	_ =	shalt  }
0x71: {  	_ =	shalt  }
0x72: {  	_ =	shalt  }
0x73: {  	_ =	shalt  }
0x74: {  	_ =	shalt  }
0x75: {  	_ =	shalt  }
0x76: {  	_ =	shalt  }
0x77: {  	_ =	shalt  }
0x78: {  	_ =	shalt  }
0x79: {  	_ =	shalt  }
0x7a: {  	_ =	shalt  }
0x7b: {  	_ =	shalt  }
0x7c: {  	_ =	shalt  }
0x7d: {  	_ =	shalt  }
0x7e: {  	_ =	shalt  }
0x7f: {  	_ =	shalt  }
0x80: {  	_ =	shalt  }
0x81: {  	_ =	shalt  }
0x82: {  	_ =	shalt  }
0x83: {  	_ =	shalt  }
0x84: {  	_ =	shalt  }
0x85: {  	_ =	shalt  }
0x86: {  	_ =	shalt  }
0x87: {  	_ =	shalt  }
.Lfunc_end0:
.L_simem_size_0:
called_computation_lowered:
.L_overlay_start_0:
0x88: {  	s2 =	sld [smem:$0x3FD9]  }
0x89: {  	s3 =	sld [smem:$0x3FFE];
	_ =	sdelay $0x1  }
0x8a: {  	s1 =	srdreg.scid  }
0x8b: {  	s0 =	sand.u32 $0x1, s1  }
0x8c: {  	s17 =	sshll.u32 s0, $0xA;
	s2 =	sadd.s32 s3, s2  }
0x8d: {  	s2 =	sadd.s32 s2, s17  }
0x8e: {  	[smem:$0x3FC6] =	sst s2  }
0x8f: {  	_ = 	snop  }
0x90: {  	s2 =	sld [smem:$0x3FC8]  }
0x91: {  	s18 =	sld [smem:$0x3FD0];
	(tm) =	ssettm $0x1  }
0x92: {  	s4 =	sld [smem:$0x3FFB];
	_ =	sdelay $0x3  }
0x93: {  	_ =	strace s4  }
0x94: {  	s4 =	sld [smem:$0x3FFC];
	_ =	sdelay $0x3  }
0x95: {  	_ =	strace s4  }
0x96: {  	s4 =	sld [smem:$0x3FFD];
	_ =	sdelay $0x3  }
0x97: {  	_ =	strace s4  }
0x98: {  	_ =	strace $0x8FFFFFFF  }
0x99: {  	s19 =	sld [smem:$0x3FDB];
	_ =	sdelay $0x1  }
0x9a: {  	s5 =	simm.s32 $_scs_section_size  }
0x9b: {  	s6 =	simm.s32 $_size__tile_overlayer_lowered;
	s7 =	simm.s32 $_tile_overlayer_lowered  }
0x9c: {  	s22 =	simm.s32 $0x1BFF;
	s21 =	sshll.u32 s7, $0x1;
	s4 =	sadd.s32 s5, s19  }
0x9d: {  	s8 =	simm.s32 $0x0;
	s20 =	sshll.u32 s6, $0x1;
	s6 =	sadd.s32 s21, s4  }
0x9e: {  	[timem:s8], [sflag:s22] =	dma.local [hbm:s6], s20  }
0x9f: {  	_ =	swait.ge [sflag:s22], s20  }
0xa0: {  	s5 =	ssub.s32 $0x0, s20;
	[sflag:s22] =	ssyncset.done $0x0  }
0xa1: {  	[sflag:s22] =	ssyncadd.s32 s5;
	_ =	sdelay $0x1  }
0xa2: {  	s23 =	simm.s32 $0x1B8B  }
0xa3: {  	_ =	swait.ge [sflag:s23], $0x1  }
0xa4: {  	[sflag:s23] =	ssyncset.done $0x0  }
0xa5: {  	s25 =	simm.s32 $0x1B8E;
	s24 =	sld [smem:$0x3FFE];
	[sflag:s23] =	ssyncadd.s32 $0xFFFFFFFF  }
0xa6: {  	s26 =	simm.s32 $execute0_lowered;
	[smem:$0x3FD2] =	sst s25  }
0xa7: {  	s6 =	sshll.u32 s26, $0x1;
	_ =	strace $0x80000046;
	[dreg:$0x1] =	wrdreg $0xFFFFFFFF  }
0xa8: {  	s28 =	simm.s32 $_size_execute0_lowered;
	s4 =	sadd.s32 s4, s6;
	[dreg:$0x0] =	wrdreg $0x0  }
0xa9: {  	s6 =	sshll.u32 s28, $0x1;
	[dreg:$0x2] =	wrdreg s4  }
0xaa: {  	[dreg:$0x3] =	wrdreg s6  }
0xab: {  	[dreg:$0x4] =	wrdreg $0xC0  }
0xac: {  	_ =	task [dreg:s8], $0x5FFFF  }
0xad: {  	[dreg:$0x1] =	wrdreg $0xFFFFFFFF  }
0xae: {  	[dreg:$0x0] =	wrdreg $0x60  }
0xaf: {  	[dreg:$0x2] =	wrdreg s24  }
0xb0: {  	[dreg:$0x3] =	wrdreg s2  }
0xb1: {  	[dreg:$0x4] =	wrdreg s18  }
0xb2: {  	[dreg:$0x5] =	wrdreg $0x9  }
0xb3: {  	_ =	task.clear_ibuf [dreg:s8], $0x6FFFF;
	_ =	strace $0x90000046  }
0xb4: {  	s29 =	simm.s32 $0x9;
	_ =	strace $0x80000048  }
0xb5: {  	_ =	swait.ge [sflag:s29], $0x1  }
0xb6: {  	[sflag:s29] =	ssyncadd.s32 $0xFFFFFFFF  }
0xb7: {  	_ =	strace $0x90000048  }
0xb8: {  	_ =	sfence  }
0xb9: {  	s30 =	sld [smem:$0x0];
	_ =	sdelay $0x2  }
0xba: {  	s31 =	sshll.u32 s1, $0xD;
	s1 =	sshrl.u32 s1, $0x2  }
0xbb: {  	s3 =	sand.u32 $0x4000, s31;
	s1 =	sadd.s32 s1, s30  }
0xbc: {  	s0 =	sor.u32 s3, s0;
	s1 =	sshll.u32 s1, $0x11  }
0xbd: {  	s0 =	sor.u32 s1, s0  }
0xbe: {  	s0 =	sadd.s32 $0x8F2B, s0  }
0xbf: {  	[sflag:s0] =	ssyncadd.remote.s32 $0x1  }
0xc0: {  	_ =	sfence.sel $0xFFFF  }
0xc1: {  	[dreg:$0x0] =	wrdreg $0xFFFFFFFF;
	(pc) =	sbr.abs _section_cstart, $3  }
0xc2: {  	[dreg:$0x1] =	wrdreg $0xFFFFFFFF  }
0xc3: {  	_ =	task.clear_ibuf [dreg:s8], $0x2FFFF;
	_ =	strace $0x9FFFFFFF  }
0xc4: {  	(tm) =	ssettm $0x7FFFFFFF  }
0xc5: {  	_ =	shalt  }
tec
execute0_lowered:
.L_overlay_start_1:
0x0: {  	(tag) =	ssettag $0x1  }
0x1: {  	s4 =	rddreg [dreg:$0x0]  }
0x2: {  	s2 =	rddreg [dreg:$0x1];
	s1 =	srdreg.scid  }
0x3: {  	s0 =	stileid.u32;
	s10 =	rddreg [dreg:$0x2]  }
0x4: {  	s3 =	simm.s32 $0x0;
	s15 =	simm.s32 $0xA400;
	s16 =	simm.s32 $0x100  }
0x5: {  	s17 =	simm.s32 $0xE400;
	s18 =	simm.s32 $0x180;
	s19 =	simm.s32 $0x12400  }
0x6: {  	s20 =	simm.s32 $0x1;
	s21 =	simm.s32 $0x2;
	s11 =	smul.u32 $0x640000, s0  }
0x7: {  	s22 =	simm.s32 $0x3;
	s9 =	sand.u32 $0x1, s1;
	s14 =	smul.u32 $0xC8000, s0  }
0x8: {  	s23 =	simm.s32 $0x4;
	s5 =	sshll.u32 s0, $0x1;
	s13 =	smul.u32 $0x320000, s9  }
0x9: {  	s1 =	rddreg [dreg:$0x3];
	s5 =	sor.u32 s9, s5;
	s30 =	smul.u32 $0x64000, s9  }
0xa: {  	s24 =	simm.s32 $0x0;
	[smem:$0x7FF] =	sst s3;
	s6 =	smul.u32 $0xC80, s5  }
0xb: {  	_ =	strace $0x80000047;
	s7 =	ssub.s32 $0x2, s9;
	s8 =	smul.u32 $0x320000, s5  }
0xc: {  	s26 =	sshrl.u32 s7, $0x1;
	s28 =	smul.u32 $0x64000, s5;
	s31 =	sadd.s32 s14, s10  }
0xd: {  	s14 =	simm.s32 $0x6400;
	s11 =	sadd.s32 s13, s11;
	s13 =	simm.s32 $0x80  }
0xe: {  	s4 =	sadd.s32 s6, s4;
	s6 =	ssub.s32 s7, s26;
	s29 =	sshrl.u32 s8, $0x3  }
0xf: {  	s12 =	sadd.s32 s10, s28;
	s11 =	sshrl.u32 s11, $0x3;
	s4 =	sadd.s32 $0x400, s4  }
0x10: {  	s5 =	smax.u32 s6, $0x1;
	s6 =	sadd.s32 s10, s29;
	s7 =	sadd.s32 $0x62800, s12  }
0x11: {  	s8 =	sadd.s32 $0x63000, s12;
	s9 =	sadd.s32 $0x63800, s12;
	s10 =	sadd.s32 s11, s10  }
0x12: {  	s11 =	sadd.s32 s30, s31;
	s12 =	simm.s32 $0x5;
	s6 =	sadd.s32 $0x62000, s6  }
.LBB2_1:
0x13: {  	[tilespmem:s3], [sflag:$0x5] =	stream.linear.gather [hbm4b:s4+s3], $0x6400, $0x38;
	[tilespmem:$0x16400] =	vst v63  }
0x14: {  	_ =	swait.ge [sflag:s12], $0x6400  }
0x15: {  	[sflag:s12] =	ssyncset.done $0x0  }
0x16: {  	[sflag:s12] =	ssyncadd.s32 $0xFFFF9C00  }
0x17: {  	[tilespmem:s14], [sflag:$0x1] =	stream.indirect.gather [hbm4b:s2+s13], $0x80, s3, s13, $0xb8;
	[tilespmem:$0x16400] =	vst v63  }
0x18: {  	_ = 	snop  }
0x19: {  	[tilespmem:s15], [sflag:$0x2] =	stream.indirect.gather [hbm4b:s2+s13], $0x80, s13, s13, $0xb8;
	[tilespmem:$0x16400] =	vst v63  }
0x1a: {  	_ = 	snop  }
0x1b: {  	[tilespmem:s17], [sflag:$0x3] =	stream.indirect.gather [hbm4b:s2+s13], $0x80, s16, s13, $0xb8;
	[tilespmem:$0x16400] =	vst v63  }
0x1c: {  	_ = 	snop  }
0x1d: {  	[tilespmem:s19], [sflag:$0x4] =	stream.indirect.gather [hbm4b:s2+s13], $0x80, s18, s13, $0xb8;
	[tilespmem:$0x16400] =	vst v63  }
0x1e: {  	_ =	swait.ge [sflag:s20], $0x4000  }
0x1f: {  	[sflag:s20] =	ssyncset.done $0x0  }
0x20: {  	s25 =	sadd.s32 $0x0, s10;
	[sflag:s20] =	ssyncadd.s32 $0xFFFFC000  }
0x21: {  	[hbm4b:s25+s3] =	stream.linear.scatter [tilespmem:s14], [sflag:$0x5], $0x4000, $0x38;
	[tilespmem:$0x16400] =	vst v63  }
0x22: {  	_ =	swait.ge [sflag:s12], $0x4000  }
0x23: {  	[sflag:s12] =	ssyncset.done $0x0  }
0x24: {  	s26 =	simm.s32 $0x200;
	[sflag:s12] =	ssyncadd.s32 $0xFFFFC000  }
0x25: {  	[tilespmem:s14], [sflag:$0x1] =	stream.indirect.gather [hbm4b:s2+s13], $0x80, s26, s13, $0xb8;
	[tilespmem:$0x16400] =	vst v63  }
0x26: {  	_ =	swait.ge [sflag:s21], $0x4000  }
0x27: {  	s25 =	sadd.s32 $0x0, s11;
	[sflag:s21] =	ssyncset.done $0x0  }
0x28: {  	s26 =	sadd.s32 $0x800, s25;
	[sflag:s21] =	ssyncadd.s32 $0xFFFFC000  }
0x29: {  	[hbm4b:s26+s3] =	stream.linear.scatter [tilespmem:s15], [sflag:$0x5], $0x4000, $0x38;
	[tilespmem:$0x16400] =	vst v63  }
0x2a: {  	_ =	swait.ge [sflag:s12], $0x4000  }
0x2b: {  	[sflag:s12] =	ssyncset.done $0x0  }
0x2c: {  	s29 =	simm.s32 $0x280;
	[sflag:s12] =	ssyncadd.s32 $0xFFFFC000  }
0x2d: {  	[tilespmem:s15], [sflag:$0x2] =	stream.indirect.gather [hbm4b:s2+s13], $0x80, s29, s13, $0xb8;
	[tilespmem:$0x16400] =	vst v63  }
0x2e: {  	_ =	swait.ge [sflag:s22], $0x4000  }
0x2f: {  	[sflag:s22] =	ssyncset.done $0x0  }
0x30: {  	s30 =	sadd.s32 $0x1000, s25;
	[sflag:s22] =	ssyncadd.s32 $0xFFFFC000  }
0x31: {  	[hbm4b:s30+s3] =	stream.linear.scatter [tilespmem:s17], [sflag:$0x5], $0x4000, $0x38;
	[tilespmem:$0x16400] =	vst v63  }
0x32: {  	_ =	swait.ge [sflag:s12], $0x4000  }
0x33: {  	[sflag:s12] =	ssyncset.done $0x0  }
0x34: {  	s31 =	simm.s32 $0x300;
	[sflag:s12] =	ssyncadd.s32 $0xFFFFC000  }
0x35: {  	[tilespmem:s17], [sflag:$0x3] =	stream.indirect.gather [hbm4b:s2+s13], $0x80, s31, s13, $0xb8;
	[tilespmem:$0x16400] =	vst v63  }
0x36: {  	_ =	swait.ge [sflag:s23], $0x4000  }
0x37: {  	[sflag:s23] =	ssyncset.done $0x0  }
0x38: {  	s25 =	sadd.s32 $0x1800, s25;
	[sflag:s23] =	ssyncadd.s32 $0xFFFFC000  }
0x39: {  	[hbm4b:s25+s3] =	stream.linear.scatter [tilespmem:s19], [sflag:$0x5], $0x4000, $0x38;
	[tilespmem:$0x16400] =	vst v63  }
0x3a: {  	_ =	swait.ge [sflag:s12], $0x4000  }
0x3b: {  	s28 =	simm.s32 $0x580;
	[sflag:s12] =	ssyncset.done $0x0  }
0x3c: {  	s26 =	simm.s32 $0x2000;
	s25 =	simm.s32 $0x380;
	[sflag:s12] =	ssyncadd.s32 $0xFFFFC000  }
.LBB2_2:
0x3d: {  	[tilespmem:s19], [sflag:$0x4] =	stream.indirect.gather [hbm4b:s2+s13], $0x80, s25, s13, $0xb8;
	[tilespmem:$0x16400] =	vst v63  }
0x3e: {  	s29 =	smov.u32 s26;
	s25 =	smov.u32 s28  }
0x3f: {  	p0 =	sne.s32 s26, $0x60000;
	s26 =	sadd.s32 $0x2000, s26;
	_ =	swait.ge [sflag:s20], $0x4000  }
0x40: {  	[sflag:s20] =	ssyncset.done $0x0  }
0x41: {  	s30 =	sadd.s32 s29, s10;
	[sflag:s20] =	ssyncadd.s32 $0xFFFFC000  }
0x42: {  	[hbm4b:s30+s3] =	stream.linear.scatter [tilespmem:s14], [sflag:$0x5], $0x4000, $0x38;
	[tilespmem:$0x16400] =	vst v63  }
0x43: {  	_ =	swait.ge [sflag:s12], $0x4000  }
0x44: {  	[sflag:s12] =	ssyncset.done $0x0  }
0x45: {  	s30 =	sadd.s32 $0xFFFFFE80, s28;
	[sflag:s12] =	ssyncadd.s32 $0xFFFFC000  }
0x46: {  	[tilespmem:s14], [sflag:$0x1] =	stream.indirect.gather [hbm4b:s2+s13], $0x80, s30, s13, $0xb8;
	[tilespmem:$0x16400] =	vst v63  }
0x47: {  	_ =	swait.ge [sflag:s21], $0x4000  }
0x48: {  	s29 =	sadd.s32 s29, s11;
	[sflag:s21] =	ssyncset.done $0x0  }
0x49: {  	s30 =	sadd.s32 $0x800, s29;
	[sflag:s21] =	ssyncadd.s32 $0xFFFFC000  }
0x4a: {  	[hbm4b:s30+s3] =	stream.linear.scatter [tilespmem:s15], [sflag:$0x5], $0x4000, $0x38;
	[tilespmem:$0x16400] =	vst v63  }
0x4b: {  	_ =	swait.ge [sflag:s12], $0x4000  }
0x4c: {  	[sflag:s12] =	ssyncset.done $0x0  }
0x4d: {  	s30 =	sadd.s32 $0xFFFFFF00, s28;
	[sflag:s12] =	ssyncadd.s32 $0xFFFFC000  }
0x4e: {  	[tilespmem:s15], [sflag:$0x2] =	stream.indirect.gather [hbm4b:s2+s13], $0x80, s30, s13, $0xb8;
	[tilespmem:$0x16400] =	vst v63  }
0x4f: {  	_ =	swait.ge [sflag:s22], $0x4000  }
0x50: {  	[sflag:s22] =	ssyncset.done $0x0  }
0x51: {  	s30 =	sadd.s32 $0x1000, s29;
	[sflag:s22] =	ssyncadd.s32 $0xFFFFC000  }
0x52: {  	[hbm4b:s30+s3] =	stream.linear.scatter [tilespmem:s17], [sflag:$0x5], $0x4000, $0x38;
	[tilespmem:$0x16400] =	vst v63  }
0x53: {  	_ =	swait.ge [sflag:s12], $0x4000  }
0x54: {  	[sflag:s12] =	ssyncset.done $0x0  }
0x55: {  	s30 =	sadd.s32 $0xFFFFFF80, s28;
	[sflag:s12] =	ssyncadd.s32 $0xFFFFC000  }
0x56: {  	[tilespmem:s17], [sflag:$0x3] =	stream.indirect.gather [hbm4b:s2+s13], $0x80, s30, s13, $0xb8;
	[tilespmem:$0x16400] =	vst v63  }
0x57: {  	_ =	swait.ge [sflag:s23], $0x4000  }
0x58: {  	[sflag:s23] =	ssyncset.done $0x0  }
.Ltmp0:
0x59: {  	s29 =	sadd.s32 $0x1800, s29;
	[sflag:s23] =	ssyncadd.s32 $0xFFFFC000;
	(pc) =	sbr.rel @p0 .LBB2_2-.Ltmp0, $4  }
0x5a: {  	[hbm4b:s29+s3] =	stream.linear.scatter [tilespmem:s19], [sflag:$0x5], $0x4000, $0x38;
	[tilespmem:$0x16400] =	vst v63  }
0x5b: {  	_ =	swait.ge [sflag:s12], $0x4000  }
0x5c: {  	[sflag:s12] =	ssyncset.done $0x0  }
0x5d: {  	s28 =	sadd.s32 $0x200, s28;
	[sflag:s12] =	ssyncadd.s32 $0xFFFFC000  }
0x5e: {  	[tilespmem:s19], [sflag:$0x4] =	stream.indirect.gather [hbm4b:s2+s13], $0x80, s25, s13, $0xb8;
	[tilespmem:$0x16400] =	vst v63  }
0x5f: {  	_ =	swait.ge [sflag:s20], $0x4000  }
0x60: {  	[sflag:s20] =	ssyncset.done $0x0  }
0x61: {  	[sflag:s20] =	ssyncadd.s32 $0xFFFFC000  }
0x62: {  	[hbm4b:s6+s3] =	stream.linear.scatter [tilespmem:s14], [sflag:$0x5], $0x4000, $0x38;
	[tilespmem:$0x16400] =	vst v63  }
0x63: {  	_ =	swait.ge [sflag:s12], $0x4000  }
0x64: {  	[sflag:s12] =	ssyncset.done $0x0  }
0x65: {  	[sflag:s12] =	ssyncadd.s32 $0xFFFFC000  }
0x66: {  	_ =	swait.ge [sflag:s21], $0x4000  }
0x67: {  	[sflag:s21] =	ssyncset.done $0x0  }
0x68: {  	[sflag:s21] =	ssyncadd.s32 $0xFFFFC000  }
0x69: {  	[hbm4b:s7+s3] =	stream.linear.scatter [tilespmem:s15], [sflag:$0x5], $0x4000, $0x38;
	[tilespmem:$0x16400] =	vst v63  }
0x6a: {  	_ =	swait.ge [sflag:s12], $0x4000  }
0x6b: {  	[sflag:s12] =	ssyncset.done $0x0  }
0x6c: {  	[sflag:s12] =	ssyncadd.s32 $0xFFFFC000  }
0x6d: {  	_ =	swait.ge [sflag:s22], $0x4000  }
0x6e: {  	[sflag:s22] =	ssyncset.done $0x0  }
0x6f: {  	[sflag:s22] =	ssyncadd.s32 $0xFFFFC000  }
0x70: {  	[hbm4b:s8+s3] =	stream.linear.scatter [tilespmem:s17], [sflag:$0x5], $0x4000, $0x38;
	[tilespmem:$0x16400] =	vst v63  }
0x71: {  	_ =	swait.ge [sflag:s12], $0x4000  }
0x72: {  	[sflag:s12] =	ssyncset.done $0x0  }
0x73: {  	[sflag:s12] =	ssyncadd.s32 $0xFFFFC000  }
0x74: {  	s24 =	sadd.s32 $0x1, s24;
	_ =	swait.ge [sflag:s23], $0x4000  }
0x75: {  	p0 =	sne.s32 s24, s5;
	[sflag:s23] =	ssyncset.done $0x0  }
.Ltmp1:
0x76: {  	[sflag:s23] =	ssyncadd.s32 $0xFFFFC000;
	(pc) =	sbr.rel @p0 .LBB2_1-.Ltmp1, $4  }
0x77: {  	[hbm4b:s9+s3] =	stream.linear.scatter [tilespmem:s19], [sflag:$0x5], $0x4000, $0x38;
	[tilespmem:$0x16400] =	vst v63  }
0x78: {  	_ =	swait.ge [sflag:s12], $0x4000  }
0x79: {  	[sflag:s12] =	ssyncset.done $0x0  }
0x7a: {  	[sflag:s12] =	ssyncadd.s32 $0xFFFFC000  }
0x7b: {  	_ =	sfence.sel $0x180000  }
0x7c: {  	[bflag:$0x0] =	sbarrier.arrive $0xFFFF  }
0x7d: {  	p0 =	sne.s32 s0, $0x0;
	_ =	strace $0x90000047  }
0x7e: {  	s0 =	sadd.s32 @!p0 $0x100000, s1;
	[bflag:$0x2] =	sbarrier.arrive $0xFFFF  }
0x7f: {  	[sflag:s0] =	ssyncadd.tile.s32 @!p0 $0x1;
	_ =	shalt  }
.Lfunc_end2:
_tile_overlayer_lowered:
.L_overlay_start_2:
0x80: {  	(tag) =	ssettag $0x2  }
0x81: {  	s0 =	rddreg [dreg:$0x0];
	s2 =	stileid.u32  }
0x82: {  	s1 =	rddreg [dreg:$0x1];
	p0 =	sne.s32 s2, $0x0  }
0x83: {  	s3 =	rddreg [dreg:$0x2];
	[bflag:$0x3] =	sbarrier.arrive $0xFFFF;
	s2 =	simm.s32 @!p0 $0x1C05  }
0x84: {  	[timem:s3], [sflag:s2] =	dma.local @!p0 [hbm:s0], s1  }
0x85: {  	s0 =	simm.s32 @!p0 $0x5  }
0x86: {  	_ =	swait.ge @!p0 [sflag:s0], s1  }
0x87: {  	s1 =	ssub.s32 @!p0 $0x0, s1;
	[sflag:s0] =	ssyncset.done @!p0 $0x0  }
0x88: {  	[sflag:s0] =	ssyncadd.s32 @!p0 s1  }
0x89: {  	[bflag:$0x3] =	sbarrier.arrive $0xFFFF  }
0x8a: {  	_ =	shalt  }

</sc_bundles>
